<compile_context>
chip_gen: v7x
topology: tpu7x:2x2x1
jax: 0.10.2.dev20260603
libtpu: 0.0.44.dev20260713+nightly
codegen_flags: <defaults>
</compile_context>

<pallas_src>
import jax
import jax.numpy as jnp
from jax.experimental import pallas as pl
from jax.experimental.pallas import tpu as pltpu

_OUT = 200
_IOU_T = 0.5
_SCORE_T = 0.01
_NC = 1024
_NEG = -1e9
_BLK = 128
_NB = _NC // _BLK
_B = 32
_NIMG = 4
_NCLS = 8
_PAD = 256


def _iou_block(cT, c):
    x1j, y1j, x2j, y2j, aj = [t[:, :, None] for t in cT]
    x1l, y1l, x2l, y2l, al = [t[None, :, :] for t in c]
    iw = jnp.maximum(jnp.minimum(x2j, x2l) - jnp.maximum(x1j, x1l), 0.0)
    ih = jnp.maximum(jnp.minimum(y2j, y2l) - jnp.maximum(y1j, y1l), 0.0)
    inter = iw * ih
    union = (aj + al) - inter
    return inter / jnp.maximum(union, 1e-8)


def _ranks(ks, bs):
    Bb, N = ks.shape
    nb = N // bs
    ii = jax.lax.broadcasted_iota(jnp.int32, (1, bs, bs), 1)
    jj = jax.lax.broadcasted_iota(jnp.int32, (1, bs, bs), 2)
    out = []
    for bi in range(nb):
        ksi = ks[:, bi * bs:(bi + 1) * bs][:, :, None]
        cnt = jnp.zeros((Bb, bs), jnp.float32)
        for bj in range(nb):
            ksj = ks[:, bj * bs:(bj + 1) * bs][:, None, :]
            gt = ksj > ksi
            if bj < bi:
                c = gt | (ksj == ksi)
            elif bj == bi:
                c = gt | ((ksj == ksi) & (jj < ii))
            else:
                c = gt
            cnt = cnt + jnp.sum(jnp.where(c, 1.0, 0.0), axis=2)
        out.append(cnt)
    return jnp.concatenate(out, axis=1)


def _nms_body(x1r, y1r, x2r, y2r, sr, outr, obbr):
    x1 = x1r[...]
    y1 = y1r[...]
    x2 = x2r[...]
    y2 = y2r[...]
    s = sr[...]
    area = (x2 - x1) * (y2 - y1)

    x1T = jnp.transpose(x1)
    y1T = jnp.transpose(y1)
    x2T = jnp.transpose(x2)
    y2T = jnp.transpose(y2)
    areaT = jnp.transpose(area)

    valid = jnp.where(s > _NEG / 2, 1.0, 0.0)

    lane = jax.lax.broadcasted_iota(jnp.int32, (1, _BLK), 1)
    jix = jax.lax.broadcasted_iota(jnp.int32, (_BLK, 1, _BLK), 0)
    lix = jax.lax.broadcasted_iota(jnp.int32, (_BLK, 1, _BLK), 2)

    pend = [jnp.ones((_B, _BLK), jnp.float32) for _ in range(_NB)]
    keeps = []
    for b in range(_NB):
        sl = slice(b * _BLK, (b + 1) * _BLK)
        cTb = (x1T[sl], y1T[sl], x2T[sl], y2T[sl], areaT[sl])
        cb = (x1[:, sl], y1[:, sl], x2[:, sl], y2[:, sl], area[:, sl])
        kb = valid[:, sl] * pend[b]

        q = _iou_block(cTb, cb)
        obbr[...] = jnp.where((q > _IOU_T) & (lix > jix), 1.0, 0.0)

        def body(j, kb_):
            row = obbr[pl.ds(j, 1), :, :][0]
            oh = jnp.where(lane == j, 1.0, 0.0)
            kj = jnp.sum(kb_ * oh, axis=1, keepdims=True)
            return kb_ * (1.0 - row * kj)

        kb = jax.lax.fori_loop(0, _BLK, body, kb)
        keeps.append(kb)

        if b < _NB - 1:
            kbT = jnp.transpose(kb)[:, :, None]
            for c in range(b + 1, _NB):
                slc = slice(c * _BLK, (c + 1) * _BLK)
                cc = (x1[:, slc], y1[:, slc], x2[:, slc], y2[:, slc],
                      area[:, slc])
                qc = _iou_block(cTb, cc)
                oc = jnp.where(qc > _IOU_T, 1.0, 0.0)
                sup = jnp.max(oc * kbT, axis=0)
                pend[c] = pend[c] * (1.0 - sup)

    keep = jnp.concatenate(keeps, axis=1)
    ks = jnp.where(keep > 0.5, s, _NEG)

    rank = _ranks(ks, 256)
    r_iota = jax.lax.broadcasted_iota(jnp.int32, (1, _PAD, 1), 1)
    r_iota_f = r_iota.astype(jnp.float32)
    cols = (ks, x1, y1, x2, y2)
    acc = [jnp.zeros((_B, _PAD), jnp.float32) for _ in range(5)]
    for jb in range(4):
        slj = slice(jb * 256, (jb + 1) * 256)
        oh = jnp.where(rank[:, slj][:, None, :] == r_iota_f, 1.0, 0.0)
        for k in range(5):
            acc[k] = acc[k] + jnp.sum(oh * cols[k][:, slj][:, None, :], axis=2)
    s256, x1c, y1c, x2c, y2c = acc

    rmask = jax.lax.broadcasted_iota(jnp.int32, (1, _PAD), 1) >= _OUT
    s256 = jnp.where(rmask, _NEG, s256)

    gs = s256.reshape(_NIMG, _NCLS * _PAD)
    gx1 = x1c.reshape(_NIMG, _NCLS * _PAD)
    gy1 = y1c.reshape(_NIMG, _NCLS * _PAD)
    gx2 = x2c.reshape(_NIMG, _NCLS * _PAD)
    gy2 = y2c.reshape(_NIMG, _NCLS * _PAD)
    gcls = (jax.lax.broadcasted_iota(jnp.int32, (_NIMG, _NCLS * _PAD), 1)
            // _PAD).astype(jnp.float32)

    grank = _ranks(gs, 256)
    gcols = (gcls, gs, gx1, gy1, gx2, gy2)
    facc = [jnp.zeros((_NIMG, _PAD), jnp.float32) for _ in range(6)]
    for jb in range(8):
        slj = slice(jb * 256, (jb + 1) * 256)
        oh = jnp.where(grank[:, slj][:, None, :] == r_iota_f, 1.0, 0.0)
        for k in range(6):
            facc[k] = facc[k] + jnp.sum(
                oh * gcols[k][:, slj][:, None, :], axis=2)
    fcls, fs, fx1, fy1, fx2, fy2 = facc

    fvalid = fs > _NEG / 2
    fx1 = jnp.clip(fx1, 0.0, 1.0)
    fy1 = jnp.clip(fy1, 0.0, 1.0)
    fx2 = jnp.clip(fx2, 0.0, 1.0)
    fy2 = jnp.clip(fy2, 0.0, 1.0)
    outc = (fcls, fs, fx1, fy1, fx2, fy2)
    col = jax.lax.broadcasted_iota(jnp.int32, (_NIMG, _PAD, 8), 2)
    vals = jnp.zeros((_NIMG, _PAD, 8), jnp.float32)
    for k in range(6):
        vals = vals + jnp.where(col == k, outc[k][:, :, None], 0.0)
    vals = jnp.where(fvalid[:, :, None], vals, 0.0)
    outr[...] = vals


def _triv_body(x1r, y1r, x2r, y2r, sr, outr):
    outr[...] = jnp.zeros((_NIMG, _PAD, 8), jnp.float32) + jnp.sum(x1r[...]) + jnp.sum(sr[...])


def kernel(x):
    boxes = x[:, :, :4]
    scores = x[:, :, 4:]
    s = jnp.where(scores > _SCORE_T, scores, _NEG)
    st = jnp.transpose(s, (0, 2, 1)).reshape(_B, 20000)
    top_s, top_i = jax.lax.top_k(st, _NC)
    bfull = jnp.broadcast_to(
        boxes[:, None], (_NIMG, _NCLS, 20000, 4)).reshape(_B, 20000, 4)
    top_b = jnp.take_along_axis(bfull, top_i[:, :, None], axis=1)
    x1 = top_b[:, :, 0]
    y1 = top_b[:, :, 1]
    x2 = top_b[:, :, 2]
    y2 = top_b[:, :, 3]
    out = pl.pallas_call(
        _triv_body,
        out_shape=jax.ShapeDtypeStruct((_NIMG, _PAD, 8), jnp.float32),
    )(x1, y1, x2, y2, top_s)
    return out[:, :_OUT, :6]

# --- scband reference (transcript-rebuilt; emitter-appended) ---
"""Pipeline reference for scband-nmslayer-20169166422186 (READ-ONLY COPY).

The authoritative reference and input builder live on the scoring server;
editing this copy changes nothing except your own understanding.
"""

import jax, jax.numpy as jnp
import numpy as np

OUTPUT_SIZE = 200
IOU_THRESHOLD = 0.5
SCORE_THRESHOLD = 0.01
NUM_CANDIDATES = 1024  # greedy-NMS candidate cap (>5x output_size); faithful in practice
NEG = -1e9


def setup_inputs(seed: int = 0) -> dict:
    key = jax.random.key(seed)
    # last dim: (x_min, y_min, x_max, y_max, cls_conf_0..cls_conf_7), all in [0,1)
    x = jax.random.uniform(key, (4, 20000, 12), dtype=jnp.float32)
    return {"x": x}


def _iou_matrix(b):
    x1, y1, x2, y2 = b[:, 0], b[:, 1], b[:, 2], b[:, 3]
    area = (x2 - x1) * (y2 - y1)
    ix1 = jnp.maximum(x1[:, None], x1[None, :])
    iy1 = jnp.maximum(y1[:, None], y1[None, :])
    ix2 = jnp.minimum(x2[:, None], x2[None, :])
    iy2 = jnp.minimum(y2[:, None], y2[None, :])
    iw = jnp.maximum(ix2 - ix1, 0.0)
    ih = jnp.maximum(iy2 - iy1, 0.0)
    inter = iw * ih
    union = area[:, None] + area[None, :] - inter
    return inter / jnp.maximum(union, 1e-8)


def _nms_single_class(boxes, scores):
    # boxes [N,4], scores [N] -> (sel_boxes [OUTPUT_SIZE,4], sel_scores [OUTPUT_SIZE])
    s = jnp.where(scores > SCORE_THRESHOLD, scores, NEG)
    top_s, top_i = jax.lax.top_k(s, NUM_CANDIDATES)
    top_b = jnp.take(boxes, top_i, axis=0)
    iou = _iou_matrix(top_b)
    keep0 = top_s > NEG / 2
    idx = jnp.arange(NUM_CANDIDATES)

    def body(i, keep):
        sup = keep[i] & (iou[i] > IOU_THRESHOLD) & (idx > i)
        return keep & (~sup)

    keep = jax.lax.fori_loop(0, NUM_CANDIDATES, body, keep0)
    kept_s = jnp.where(keep, top_s, NEG)
    sel_s, sel_i = jax.lax.top_k(kept_s, OUTPUT_SIZE)
    sel_b = jnp.take(top_b, sel_i, axis=0)
    return sel_b, sel_s


def _per_image(xi):
    boxes = xi[:, :4]          # shared boxes across classes (expand_dims in TF)
    scores = xi[:, 4:]         # [N, C]
    C = scores.shape[1]
    sel_b, sel_s = jax.vmap(_nms_single_class, in_axes=(None, 1))(boxes, scores)  # [C,OUT,4],[C,OUT]
    cls_ids = jnp.broadcast_to(jnp.arange(C, dtype=jnp.float32)[:, None], (C, OUTPUT_SIZE))
    all_b = sel_b.reshape(-1, 4)
    all_s = sel_s.reshape(-1)
    all_c = cls_ids.reshape(-1)
    tot_s, tot_i = jax.lax.top_k(all_s, OUTPUT_SIZE)
    tot_b = jnp.take(all_b, tot_i, axis=0)
    tot_c = jnp.take(all_c, tot_i, axis=0)
    valid = tot_s > NEG / 2
    tot_b = jnp.clip(tot_b, 0.0, 1.0)  # clip_boxes=True
    tot_b = jnp.where(valid[:, None], tot_b, 0.0)
    tot_s = jnp.where(valid, tot_s, 0.0)
    tot_c = jnp.where(valid, tot_c, 0.0)
    # output last dim: (cls_inds, cls_score, xmin, ymin, xmax, ymax)
    return jnp.concatenate([tot_c[:, None], tot_s[:, None], tot_b], axis=-1)


def reference(x):
    return jax.vmap(_per_image)(x)

if __name__ == "__main__":
    import jax
    _d = setup_inputs()
    print(jax.jit(kernel)(*tuple(_d.values())))

</pallas_src>

<mosaic_0001>
module attributes {stable_mosaic.version = 14 : i64} {
  func.func @_triv_body(%arg0: memref<32x1024xf32, #tpu.memory_space<vmem>>, %arg1: memref<32x1024xf32, #tpu.memory_space<vmem>>, %arg2: memref<32x1024xf32, #tpu.memory_space<vmem>>, %arg3: memref<32x1024xf32, #tpu.memory_space<vmem>>, %arg4: memref<32x1024xf32, #tpu.memory_space<vmem>>, %arg5: memref<4x256x8xf32, #tpu.memory_space<vmem>>) attributes {dimension_semantics = [], scalar_prefetch = 0 : i64, scratch_operands = 0 : i64, tpu.core_type = #tpu.core_type<tc>} {
    %broadcast_in_dim3A = arith.constant 0.000000e+00 : f32
    %broadcast_in_dim3A_0 = vector.broadcast %broadcast_in_dim3A : f32 to vector<4x256x8xf32>
    %get3A = arith.constant 0 : index
    %get3A_1 = arith.constant 0 : index
    %get3A_2 = vector.load %arg0[%get3A, %get3A_1] : memref<32x1024xf32, #tpu.memory_space<vmem>>, vector<32x1024xf32>
    %reduce_sum3A = vector.shape_cast %get3A_2 : vector<32x1024xf32> to vector<1x32x1024xf32>
    %reduce_sum3A_3 = arith.constant dense<0.000000e+00> : vector<1xf32>
    %reduce_sum3A_4 = vector.multi_reduction <add>, %reduce_sum3A, %reduce_sum3A_3 [1, 2] : vector<1x32x1024xf32> to vector<1xf32>
    %reduce_sum3A_5 = vector.shape_cast %reduce_sum3A_4 : vector<1xf32> to vector<1x1x1xf32>
    %reduce_sum3A_6 = vector.extract %reduce_sum3A_5[0, 0, 0] : f32 from vector<1x1x1xf32>
    %add3A = vector.broadcast %reduce_sum3A_6 : f32 to vector<4x256x8xf32>
    %add3A_7 = arith.addf %broadcast_in_dim3A_0, %add3A : vector<4x256x8xf32>
    %get3A_8 = arith.constant 0 : index
    %get3A_9 = arith.constant 0 : index
    %get3A_10 = vector.load %arg4[%get3A_8, %get3A_9] : memref<32x1024xf32, #tpu.memory_space<vmem>>, vector<32x1024xf32>
    %reduce_sum3A_11 = vector.shape_cast %get3A_10 : vector<32x1024xf32> to vector<1x32x1024xf32>
    %reduce_sum3A_12 = arith.constant dense<0.000000e+00> : vector<1xf32>
    %reduce_sum3A_13 = vector.multi_reduction <add>, %reduce_sum3A_11, %reduce_sum3A_12 [1, 2] : vector<1x32x1024xf32> to vector<1xf32>
    %reduce_sum3A_14 = vector.shape_cast %reduce_sum3A_13 : vector<1xf32> to vector<1x1x1xf32>
    %reduce_sum3A_15 = vector.extract %reduce_sum3A_14[0, 0, 0] : f32 from vector<1x1x1xf32>
    %add3A_16 = vector.broadcast %reduce_sum3A_15 : f32 to vector<4x256x8xf32>
    %add3A_17 = arith.addf %add3A_7, %add3A_16 : vector<4x256x8xf32>
    %swap3A = arith.constant 0 : index
    %swap3A_18 = arith.constant 0 : index
    %swap3A_19 = arith.constant 0 : index
    %swap3A_20 = vector.load %arg5[%swap3A, %swap3A_18, %swap3A_19] : memref<4x256x8xf32, #tpu.memory_space<vmem>>, vector<4x256x8xf32>
    tpu.vector_store %arg5[%swap3A, %swap3A_18, %swap3A_19], %add3A_17 {strides = array<i32>} : memref<4x256x8xf32, #tpu.memory_space<vmem>>, vector<4x256x8xf32>,
    return
  }
}

</mosaic_0001>

<sc_bundles>
// kernel: gather_offload_async_start
scs
__scs_entry_jumppad:
0x0: {  	(pc) =	sbr.rel $0x88, $3  }
0x1: {  	(tag) =	ssettag $0x0;
	lr =	simm.s32 $0x1  }
0x2: {  	[smem:$0x3FA0] =	sst lr;
	_ =	strace $0xD0000000  }
0x3: {  	_ = 	snop  }
0x4: {  	_ = 	snop  }
0x5: {  	_ = 	snop  }
0x6: {  	_ = 	snop  }
0x7: {  	_ = 	snop  }
__scs_overlays_trampoline_lowered:
0x8: {  	[smem:$0x3FAF] =	sst s0  }
0x9: {  	[smem:$0x3FB0] =	sst s1  }
0xa: {  	[smem:$0x3FB1] =	sst s2  }
0xb: {  	[smem:$0x3FB2] =	sst s3  }
0xc: {  	[smem:$0x3FB3] =	sst s4  }
0xd: {  	[smem:$0x3FB4] =	sst s5  }
0xe: {  	[smem:$0x3FB5] =	sst s6  }
0xf: {  	[smem:$0x3FB6] =	sst s7  }
0x10: {  	[smem:$0x3FB7] =	sst s8  }
0x11: {  	[smem:$0x3FB8] =	sst s9;
	s0 =	simm.s32 @!p0 $0x0  }
0x12: {  	s1 =	sld [smem:$0x3F9E];
	s0 =	simm.s32 @p0 $0x1  }
0x13: {  	[smem:$0x3FB9] =	sst s0;
	s0 =	simm.s32 @!p1 $0x0  }
0x14: {  	s2 =	sld [smem:$0x3F9D];
	s0 =	simm.s32 @p1 $0x1  }
0x15: {  	[smem:$0x3FBA] =	sst s0;
	s0 =	simm.s32 @!p2 $0x0  }
0x16: {  	s3 =	sld [smem:$0x3FDB];
	s0 =	simm.s32 @p2 $0x1  }
0x17: {  	s4 =	simm.s32 $0x1BF5;
	[smem:$0x3FBC] =	sst s0  }
0x18: {  	s0 =	sld [smem:$0x3F9F];
	_ =	swait.ge [sflag:s4], $0x0  }
0x19: {  	s7 =	sld [smem:$0x3FA0]  }
0x1a: {  	s8 =	sadd.s32 $0xFFFFE003, lr  }
0x1b: {  	s9 =	sadd.s32 $0xFFFFFEF7, lr;
	s5 =	simm.s32 $0xFFFFFFFF;
	p2 =	slt.u32 s8, $0xFFFFF086  }
0x1c: {  	p1 =	slt.u32 s9, $0xF7A;
	s5 =	simm.s32 @!p2 $0x0  }
0x1d: {  	s5 =	simm.s32 @p1 $0x1;
	p0 =	seq.s32 s7, s2  }
0x1e: {  	s7 =	smul.u32 @!p0 $0xF7A, s2;
	p2 =	seq.s32 @!p0 s5, $0x0  }
0x1f: {  	s9 =	smul.u32 $0xF7A, s1;
	s8 =	simm.s32 @!p0 $0x1BF5;
	p2 =	por !p2, p0  }
0x20: {  	[sflag:s8] =	ssyncset.s32 @!p0 $0xFFFFF086;
	s6 =	sadd.s32 @!p0 s3, s7;
	s7 =	simm.s32 @!p0 $0x108  }
0x21: {  	s3 =	sadd.s32 s3, s9;
	s6 =	sadd.s32 @!p0 $0x88, s6;
	s7 =	simm.s32 @p2 $0x1082  }
0x22: {  	[simem:s7], [sflag:s8] =	dma.local @!p0 [hbm:s6], $0xF7A  }
0x23: {  	s9 =	sor.u32 $0xD0000000, s2;
	s6 =	simm.s32 $0x108;
	_ =	swait.ge @!p0 [sflag:s8], $0x0  }
0x24: {  	s3 =	sadd.s32 $0x88, s3;
	s6 =	simm.s32 @!p1 $0x1082;
	[sflag:s4] =	ssyncset.s32 $0xFFFFF086  }
0x25: {  	[simem:s6], [sflag:s4] =	dma.local [hbm:s3], $0xF7A  }
0x26: {  	[smem:$0x3FA0] =	sst s1;
	(tag) =	ssettag s2;
	_ =	strace s9  }
0x27: {  	s1 =	sld [smem:$0x3FB0]  }
0x28: {  	s2 =	sld [smem:$0x3FB1]  }
0x29: {  	s4 =	sld [smem:$0x3FB3]  }
0x2a: {  	p0 =	seq.s32 s5, $0x0;
	s5 =	sld [smem:$0x3FB4]  }
0x2b: {  	s6 =	sld [smem:$0x3FB5]  }
0x2c: {  	s7 =	sld [smem:$0x3FB6]  }
0x2d: {  	s3 =	simm.s32 $0x108;
	s8 =	sld [smem:$0x3FB7]  }
0x2e: {  	s3 =	simm.s32 @!p0 $0x1082;
	s9 =	sld [smem:$0x3FB8]  }
0x2f: {  	lr =	sadd.s32 s0, s3;
	s0 =	sld [smem:$0x3FAF]  }
0x30: {  	s3 =	sld [smem:$0x3FB2]  }
0x31: {  	[smem:$0x3FBB] =	sst s10  }
0x32: {  	s10 =	sld [smem:$0x3FB9];
	_ =	sdelay $0x3  }
0x33: {  	p0 =	seq.s32 s10, $0x1;
	s10 =	sld [smem:$0x3FBB];
	_ =	sdelay $0x3  }
0x34: {  	[smem:$0x3FBB] =	sst s10  }
0x35: {  	s10 =	sld [smem:$0x3FBA];
	_ =	sdelay $0x3  }
0x36: {  	p1 =	seq.s32 s10, $0x1;
	s10 =	sld [smem:$0x3FBB];
	_ =	sdelay $0x3  }
0x37: {  	[smem:$0x3FBB] =	sst s10  }
0x38: {  	s10 =	sld [smem:$0x3FBC]  }
0x39: {  	_ = 	snop;
	(pc) =	sbr.ind lr, $3  }
0x3a: {  	_ = 	snop  }
0x3b: {  	_ = 	snop  }
0x3c: {  	p2 =	seq.s32 s10, $0x1;
	s10 =	sld [smem:$0x3FBB]  }
0x3d: {  	_ =	shalt  }
0x3e: {  	_ =	shalt  }
0x3f: {  	_ =	shalt  }
0x40: {  	_ =	shalt  }
0x41: {  	_ =	shalt  }
0x42: {  	_ =	shalt  }
0x43: {  	_ =	shalt  }
0x44: {  	_ =	shalt  }
0x45: {  	_ =	shalt  }
0x46: {  	_ =	shalt  }
0x47: {  	_ =	shalt  }
0x48: {  	_ =	shalt  }
0x49: {  	_ =	shalt  }
0x4a: {  	_ =	shalt  }
0x4b: {  	_ =	shalt  }
0x4c: {  	_ =	shalt  }
0x4d: {  	_ =	shalt  }
0x4e: {  	_ =	shalt  }
0x4f: {  	_ =	shalt  }
0x50: {  	_ =	shalt  }
0x51: {  	_ =	shalt  }
0x52: {  	_ =	shalt  }
0x53: {  	_ =	shalt  }
0x54: {  	_ =	shalt  }
0x55: {  	_ =	shalt  }
0x56: {  	_ =	shalt  }
0x57: {  	_ =	shalt  }
0x58: {  	_ =	shalt  }
0x59: {  	_ =	shalt  }
0x5a: {  	_ =	shalt  }
0x5b: {  	_ =	shalt  }
0x5c: {  	_ =	shalt  }
0x5d: {  	_ =	shalt  }
0x5e: {  	_ =	shalt  }
0x5f: {  	_ =	shalt  }
0x60: {  	_ =	shalt  }
0x61: {  	_ =	shalt  }
0x62: {  	_ =	shalt  }
0x63: {  	_ =	shalt  }
0x64: {  	_ =	shalt  }
0x65: {  	_ =	shalt  }
0x66: {  	_ =	shalt  }
0x67: {  	_ =	shalt  }
0x68: {  	_ =	shalt  }
0x69: {  	_ =	shalt  }
0x6a: {  	_ =	shalt  }
0x6b: {  	_ =	shalt  }
0x6c: {  	_ =	shalt  }
0x6d: {  	_ =	shalt  }
0x6e: {  	_ =	shalt  }
0x6f: {  	_ =	shalt  }
0x70: {  	_ =	shalt  }
0x71: {  	_ =	shalt  }
0x72: {  	_ =	shalt  }
0x73: {  	_ =	shalt  }
0x74: {  	_ =	shalt  }
0x75: {  	_ =	shalt  }
0x76: {  	_ =	shalt  }
0x77: {  	_ =	shalt  }
0x78: {  	_ =	shalt  }
0x79: {  	_ =	shalt  }
0x7a: {  	_ =	shalt  }
0x7b: {  	_ =	shalt  }
0x7c: {  	_ =	shalt  }
0x7d: {  	_ =	shalt  }
0x7e: {  	_ =	shalt  }
0x7f: {  	_ =	shalt  }
0x80: {  	_ =	shalt  }
0x81: {  	_ =	shalt  }
0x82: {  	_ =	shalt  }
0x83: {  	_ =	shalt  }
0x84: {  	_ =	shalt  }
0x85: {  	_ =	shalt  }
0x86: {  	_ =	shalt  }
0x87: {  	_ =	shalt  }
.Lfunc_end0:
.L_simem_size_0:
called_computation_lowered:
.L_overlay_start_0:
0x88: {  	s2 =	sld [smem:$0x3FD9]  }
0x89: {  	s3 =	sld [smem:$0x3FFE];
	_ =	sdelay $0x1  }
0x8a: {  	s1 =	srdreg.scid  }
0x8b: {  	s0 =	sand.u32 $0x1, s1  }
0x8c: {  	s16 =	sshll.u32 s0, $0xA;
	s2 =	sadd.s32 s3, s2  }
0x8d: {  	s2 =	sadd.s32 s2, s16  }
0x8e: {  	[smem:$0x3FC7] =	sst s2  }
0x8f: {  	_ = 	snop  }
0x90: {  	(tm) =	ssettm $0x1  }
0x91: {  	s17 =	sld [smem:$0x3FFB];
	_ =	sdelay $0x3  }
0x92: {  	_ =	strace s17  }
0x93: {  	s2 =	sld [smem:$0x3FFC];
	_ =	sdelay $0x3  }
0x94: {  	_ =	strace s2  }
0x95: {  	s2 =	sld [smem:$0x3FFD];
	_ =	sdelay $0x3  }
0x96: {  	_ =	strace s2  }
0x97: {  	_ =	strace $0x8FFFFFFF  }
0x98: {  	s18 =	sld [smem:$0x3FDB];
	_ =	sdelay $0x1  }
0x99: {  	s19 =	simm.s32 $_scs_section_size  }
0x9a: {  	s4 =	simm.s32 $_size__tile_overlayer_lowered;
	s5 =	simm.s32 $_tile_overlayer_lowered  }
0x9b: {  	s22 =	simm.s32 $0x1BFF;
	s21 =	sshll.u32 s5, $0x1;
	s2 =	sadd.s32 s19, s18  }
0x9c: {  	s6 =	simm.s32 $0x0;
	s20 =	sshll.u32 s4, $0x1;
	s4 =	sadd.s32 s21, s2  }
0x9d: {  	[timem:s6], [sflag:s22] =	dma.local [hbm:s4], s20  }
0x9e: {  	_ =	swait.ge [sflag:s22], s20  }
0x9f: {  	s3 =	ssub.s32 $0x0, s20;
	[sflag:s22] =	ssyncset.done $0x0  }
0xa0: {  	[sflag:s22] =	ssyncadd.s32 s3;
	_ =	sdelay $0x1  }
0xa1: {  	s23 =	simm.s32 $0x1B8B  }
0xa2: {  	_ =	swait.ge [sflag:s23], $0x1  }
0xa3: {  	[sflag:s23] =	ssyncset.done $0x0  }
0xa4: {  	s25 =	simm.s32 $0x1B8E;
	s24 =	sld [smem:$0x3FFE];
	[sflag:s23] =	ssyncadd.s32 $0xFFFFFFFF  }
0xa5: {  	s26 =	simm.s32 $execute0_lowered;
	[smem:$0x3FD2] =	sst s25  }
0xa6: {  	s4 =	sshll.u32 s26, $0x1;
	_ =	strace $0x80000046;
	[dreg:$0x1] =	wrdreg $0xFFFFFFFF  }
0xa7: {  	s28 =	simm.s32 $_size_execute0_lowered;
	s2 =	sadd.s32 s2, s4;
	[dreg:$0x0] =	wrdreg $0x0  }
0xa8: {  	s4 =	sshll.u32 s28, $0x1;
	[dreg:$0x2] =	wrdreg s2  }
0xa9: {  	[dreg:$0x3] =	wrdreg s4  }
0xaa: {  	[dreg:$0x4] =	wrdreg $0xC0  }
0xab: {  	_ =	task [dreg:s6], $0x5FFFF  }
0xac: {  	[dreg:$0x1] =	wrdreg $0xFFFFFFFF  }
0xad: {  	[dreg:$0x0] =	wrdreg $0x60  }
0xae: {  	[dreg:$0x2] =	wrdreg s24  }
0xaf: {  	[dreg:$0x3] =	wrdreg $0x9  }
0xb0: {  	_ =	task.clear_ibuf [dreg:s6], $0x4FFFF;
	_ =	strace $0x90000046  }
0xb1: {  	s29 =	simm.s32 $0x9;
	_ =	strace $0x80000048  }
0xb2: {  	_ =	swait.ge [sflag:s29], $0x1  }
0xb3: {  	[sflag:s29] =	ssyncadd.s32 $0xFFFFFFFF  }
0xb4: {  	_ =	strace $0x90000048  }
0xb5: {  	_ =	sfence  }
0xb6: {  	s30 =	sld [smem:$0x0];
	_ =	sdelay $0x2  }
0xb7: {  	s31 =	sshll.u32 s1, $0xD;
	s1 =	sshrl.u32 s1, $0x2  }
0xb8: {  	s3 =	sand.u32 $0x4000, s31;
	s1 =	sadd.s32 s1, s30  }
0xb9: {  	s0 =	sor.u32 s3, s0;
	s1 =	sshll.u32 s1, $0x11  }
0xba: {  	s0 =	sor.u32 s1, s0  }
0xbb: {  	s0 =	sadd.s32 $0x8F2B, s0  }
0xbc: {  	[sflag:s0] =	ssyncadd.remote.s32 $0x1  }
0xbd: {  	_ =	sfence.sel $0xFFFF  }
0xbe: {  	[dreg:$0x0] =	wrdreg $0xFFFFFFFF;
	(pc) =	sbr.abs _section_cstart, $3  }
0xbf: {  	[dreg:$0x1] =	wrdreg $0xFFFFFFFF  }
0xc0: {  	_ =	task.clear_ibuf [dreg:s6], $0x2FFFF;
	_ =	strace $0x9FFFFFFF  }
0xc1: {  	(tm) =	ssettm $0x7FFFFFFF  }
tec
execute0_lowered:
.L_overlay_start_1:
0x0: {  	(tag) =	ssettag $0x1  }
0x1: {  	s1 =	srdreg.scid  }
0x2: {  	s0 =	stileid.u32;
	s6 =	rddreg [dreg:$0x0]  }
0x3: {  	s5 =	simm.s32 $0x2;
	s10 =	simm.s32 $0x3;
	s1 =	sshll.u32 s1, $0xA  }
0x4: {  	s12 =	simm.s32 $0x0;
	s2 =	sshll.u32 s0, $0xB;
	s3 =	sand.u32 $0x400, s1  }
0x5: {  	s11 =	simm.s32 $0x0;
	s1 =	rddreg [dreg:$0x1];
	s2 =	sor.u32 s2, s3  }
0x6: {  	_ =	strace $0x80000047;
	s3 =	sadd.s32 $0x28400, s6;
	s4 =	sshrl.u32 s2, $0x3  }
0x7: {  	s7 =	ssub.s32 $0x8000, s2;
	s8 =	sadd.s32 s4, s6;
	s4 =	simm.s32 $0x1  }
.Ltmp0:
0x8: {  	s9 =	sand.u32 $0x7C00, s7;
	s7 =	sshrl.u32 s7, $0xF;
	(pc) =	sbr.rel .LBB2_1-.Ltmp0, $4  }
0x9: {  	s6 =	sadd.s32 $0x76C00, s6;
	p0 =	sne.s32 s9, $0x0;
	s9 =	simm.s32 $0x1  }
0xa: {  	[sflag:s4] =	ssyncpa.u1 $0x0;
	s8 =	sadd.s32 $0x27400, s8;
	s9 =	simm.s32 @!p0 $0x0  }
0xb: {  	[sflag:s5] =	ssyncpa.u1 $0x0;
	p0 =	por $0x0, $0x0;
	s7 =	sadd.s32 s9, s7  }
0xc: {  	vm0 =	vmmov $0xffff;
	[sflag:s10] =	ssyncpa.u1 $0x0;
	s10 =	simm.s32 $0x0;
	s9 =	sadd.s32 $0x1, s7  }
.LBB2_4:
0xd: {  	_ =	sdelay $0x3  }
0xe: {  	[tilespmem:s20], [sflag:$0x1] =	stream.indirect_vreg.gather [hbm4b:s3+s10], $0x1, v0, vm0, $0x4038;
	[tilespmem:$0x2800] =	vst v63  }
0xf: {  	s14 =	sadd.s32 s17, s14  }
0x10: {  	v0 =	vld.msk [tilespmem:s14+$0x0 ss:$0x1], $0xffff;
	_ =	sdelay $0x4  }
0x11: {  	v1 =	vshrl.u32 v0, $0x5  }
0x12: {  	v2 =	vand.u32 $0x1F, v0;
	vm1 =	veq.s32 v0, $0x80000000;
	v60 =	vand.u32 $0x7FFF, v1  }
0x13: {  	v61 =	vmul.u32 $0x13A00, v2;
	v0 =	vsel vm1, $0xFFFFFFFF, v60  }
0x14: {  	v62 =	vshll.u32 v0, $0x2  }
0x15: {  	v1 =	vsel vm1, $0xFFFEC600, v61;
	v2 =	vand.u32 $0xFFFFFE00, v62  }
0x16: {  	v0 =	vand.u32 $0x7F, v0;
	v1 =	vadd.s32 v1, v2  }
0x17: {  	v0 =	vor.u32 v0, v1;
	_ =	sdelay $0x1  }
0x18: {  	s28 =	sand.u32 $0xE00, s16  }
0x19: {  	s15 =	sand.u32 $0x70, s15;
	(ifvalue) =	ssetifvalue $0x7FFFFFFF;
	s14 =	sadd.s32 s28, s13;
	v1 =	vor.u32 $0x80, v0  }
0x1a: {  	s14 =	sadd.s32 s15, s14;
	(ifvalue) =	ssetifvalue $0x7FFFFFFF  }
0x1b: {  	[tilespmem:s14], [sflag:$0x1] =	stream.indirect_vreg.gather [hbm4b:s3+s10], $0x1, v0, vm0, $0x4038;
	[tilespmem:$0x2800] =	vst v63  }
0x1c: {  	v63 =	vor.u32 $0x100, v0;
	(ifvalue) =	ssetifvalue $0x7FFFFFFF  }
0x1d: {  	s15 =	sadd.s32 $0x80, s14;
	(ifvalue) =	ssetifvalue $0x7FFFFFFF  }
0x1e: {  	[tilespmem:s15], [sflag:$0x1] =	stream.indirect_vreg.gather [hbm4b:s3+s10], $0x1, v1, vm0, $0x4038;
	[tilespmem:$0x2800] =	vst v63  }
0x1f: {  	v0 =	vor.u32 $0x180, v0;
	(ifvalue) =	ssetifvalue $0x7FFFFFFF  }
0x20: {  	s29 =	sadd.s32 $0x100, s14;
	(ifvalue) =	ssetifvalue $0x7FFFFFFF  }
0x21: {  	[tilespmem:s29], [sflag:$0x1] =	stream.indirect_vreg.gather [hbm4b:s3+s10], $0x1, v63, vm0, $0x4038;
	[tilespmem:$0x2800] =	vst v63  }
0x22: {  	(ifvalue) =	ssetifvalue $0x7FFFFFFF  }
0x23: {  	s30 =	sshll.u32 s12, $0x2;
	s14 =	sadd.s32 $0x180, s14;
	(ifvalue) =	ssetifvalue $0x7FFFFFFF  }
0x24: {  	[tilespmem:s14], [sflag:$0x1] =	stream.indirect_vreg.gather [hbm4b:s3+s10], $0x1, v0, vm0, $0x4038;
	[tilespmem:$0x2800] =	vst v63  }
0x25: {  	s31 =	sand.u32 $0x78, s12;
	s14 =	sand.u32 $0x7FFFFE00, s30  }
0x26: {  	_ =	swait.ge [sflag:s4], $0x1000;
	s12 =	sor.u32 s31, s14  }
0x27: {  	[sflag:s4] =	ssyncset.done $0x0;
	s12 =	sshrl.u32 s12, $0x3  }
0x28: {  	[sflag:s4] =	ssyncadd.s32 $0xFFFFF000;
	s12 =	sadd.s32 s6, s12  }
0x29: {  	[hbm:s12] =	stream.linear.scatter [tilespmem:s13], [sflag:$0x3], $0x1000, $0x38;
	[tilespmem:$0x2800] =	vst v63  }
.LBB2_5:
0x2a: {  	p2 =	sne.s32 s11, s9  }
.Ltmp1:
0x2b: {  	p1 =	slt.u32 s11, $0x2;
	(pc) =	sbr.rel @!p2 .LBB2_6-.Ltmp1, $4  }
0x2c: {  	s12 =	simm.s32 @!p1 $0x3  }
0x2d: {  	_ =	swait.ge @!p1 [sflag:s12], $0x1000  }
0x2e: {  	s13 =	sadd.s32 $0x1, s11;
	p0 =	por !p0, !p0;
	[sflag:s12] =	ssyncset.done @!p1 $0x0  }
0x2f: {  	s11 =	smov.u32 s13;
	[sflag:s12] =	ssyncadd.s32 @!p1 $0xFFFFF000;
	s12 =	smov.u32 s2  }
.LBB2_1:
0x30: {  	p1 =	sge.u32 s11, s7  }
0x31: {  	s13 =	sxor.u32 @!p1 $0xFFFFFFFF, s11  }
0x32: {  	s13 =	sshll.u32 @!p1 s13, $0xA  }
0x33: {  	s31 =	sadd.s32 $0xFFFFFFFF, s11;
	s14 =	simm.s32 @!p1 $0x0;
	s13 =	sand.u32 @!p1 $0x400, s13  }
0x34: {  	[tilespmem:s13], [sflag:$0x2] =	stream.linear.gather @!p1 [hbm4b:s8+s14], $0x400, $0x38;
	[tilespmem:$0x2800] =	vst v63  }
0x35: {  	p1 =	sge.u32 s31, s7  }
.Ltmp2:
0x36: {  	_ = 	snop;
	(pc) =	sbr.rel @p1 .LBB2_5-.Ltmp2, $1  }
0x37: {  	_ =	sdelay $0x3  }
0x38: {  	s13 =	simm.s32 $0x1  }
0x39: {  	_ =	swait.ge [sflag:s5], $0x400;
	s13 =	simm.s32 @!p0 $0x0  }
0x3a: {  	[sflag:s5] =	ssyncset.done $0x0;
	s14 =	sshll.u32 s13, $0xA  }
0x3b: {  	[sflag:s5] =	ssyncadd.s32 $0xFFFFFC00;
	s13 =	sadd.s32 $0x0, s14  }
0x3c: {  	v0 =	vld.msk [tilespmem:s13+$0x0 ss:$0x1], $0xffff;
	_ =	sdelay $0x4  }
0x3d: {  	v1 =	vshrl.u32 v0, $0x5  }
0x3e: {  	v2 =	vand.u32 $0x1F, v0;
	vm1 =	veq.s32 v0, $0x80000000;
	v0 =	vand.u32 $0x7FFF, v1  }
0x3f: {  	v1 =	vmul.u32 $0x13A00, v2;
	v0 =	vsel vm1, $0xFFFFFFFF, v0  }
0x40: {  	v2 =	vshll.u32 v0, $0x2  }
0x41: {  	v1 =	vsel vm1, $0xFFFEC600, v1;
	v2 =	vand.u32 $0xFFFFFE00, v2  }
0x42: {  	v0 =	vand.u32 $0x7F, v0;
	v1 =	vadd.s32 v1, v2  }
0x43: {  	s31 =	sshll.u32 s11, $0xC;
	v0 =	vor.u32 v0, v1  }
0x44: {  	s15 =	simm.s32 $0x0;
	s13 =	sand.u32 $0x1000, s31  }
0x45: {  	s16 =	sand.u32 $0xE00, s15;
	s13 =	sor.u32 $0x800, s13  }
0x46: {  	s15 =	sand.u32 $0x70, s15;
	(ifvalue) =	ssetifvalue $0x7FFFFFFF;
	s16 =	sadd.s32 s16, s13;
	v1 =	vor.u32 $0x80, v0  }
0x47: {  	(ifvalue) =	ssetifvalue $0x7FFFFFFF;
	s20 =	sadd.s32 s15, s16  }
0x48: {  	[tilespmem:s20], [sflag:$0x1] =	stream.indirect_vreg.gather [hbm4b:s3+s10], $0x1, v0, vm0, $0x4038;
	[tilespmem:$0x2800] =	vst v63  }
0x49: {  	v2 =	vor.u32 $0x100, v0;
	(ifvalue) =	ssetifvalue $0x7FFFFFFF  }
0x4a: {  	s15 =	sadd.s32 $0x80, s20;
	(ifvalue) =	ssetifvalue $0x7FFFFFFF  }
0x4b: {  	[tilespmem:s15], [sflag:$0x1] =	stream.indirect_vreg.gather [hbm4b:s3+s10], $0x1, v1, vm0, $0x4038;
	[tilespmem:$0x2800] =	vst v63  }
0x4c: {  	s18 =	simm.s32 $0x20;
	v0 =	vor.u32 $0x180, v0;
	(ifvalue) =	ssetifvalue $0x7FFFFFFF  }
0x4d: {  	s19 =	simm.s32 $0x80;
	s17 =	sadd.s32 $0x100, s20;
	(ifvalue) =	ssetifvalue $0x7FFFFFFF  }
0x4e: {  	[tilespmem:s17], [sflag:$0x1] =	stream.indirect_vreg.gather [hbm4b:s3+s10], $0x1, v2, vm0, $0x4038;
	[tilespmem:$0x2800] =	vst v63  }
0x4f: {  	s16 =	simm.s32 $0x40;
	s20 =	sadd.s32 $0x180, s20;
	(ifvalue) =	ssetifvalue $0x7FFFFFFF  }
0x50: {  	s15 =	simm.s32 $0x10;
	s17 =	simm.s32 $0x10;
	(ifvalue) =	ssetifvalue $0x7FFFFFFF  }
.LBB2_3:
0x51: {  	[tilespmem:s20], [sflag:$0x1] =	stream.indirect_vreg.gather [hbm4b:s3+s10], $0x1, v0, vm0, $0x4038;
	[tilespmem:$0x2800] =	vst v63  }
0x52: {  	p1 =	sne.s32 s18, $0x3F0;
	s20 =	sadd.s32 s17, s14;
	s17 =	sshra.s32 s19, $0x2  }
0x53: {  	v0 =	vld.msk [tilespmem:s20+$0x0 ss:$0x1], $0xffff;
	s20 =	smov.u32 s18;
	s18 =	sadd.s32 $0x10, s18  }
0x54: {  	(ifvalue) =	ssetifvalue $0x7FFFFFFF;
	_ =	sdelay $0x4  }
0x55: {  	v1 =	vand.u32 $0x1F, v0;
	v2 =	vshrl.u32 v0, $0x5  }
0x56: {  	vm1 =	veq.s32 v0, $0x80000000;
	v0 =	vand.u32 $0x7FFF, v2;
	v1 =	vmul.u32 $0x13A00, v1  }
0x57: {  	v0 =	vsel vm1, $0xFFFFFFFF, v0  }
0x58: {  	v1 =	vsel vm1, $0xFFFEC600, v1;
	v2 =	vshll.u32 v0, $0x2  }
0x59: {  	v2 =	vand.u32 $0xFFFFFE00, v2  }
0x5a: {  	v0 =	vand.u32 $0x7F, v0;
	v1 =	vadd.s32 v1, v2  }
0x5b: {  	v0 =	vor.u32 v0, v1;
	_ =	sdelay $0x1  }
0x5c: {  	s21 =	sand.u32 $0xE00, s16;
	s16 =	smov.u32 s19  }
0x5d: {  	s22 =	sand.u32 $0x70, s15;
	s21 =	sadd.s32 s21, s13;
	s15 =	smov.u32 s20;
	v1 =	vor.u32 $0x80, v0  }
0x5e: {  	s20 =	sadd.s32 s22, s21;
	(ifvalue) =	ssetifvalue $0x7FFFFFFF  }
0x5f: {  	[tilespmem:s20], [sflag:$0x1] =	stream.indirect_vreg.gather [hbm4b:s3+s10], $0x1, v0, vm0, $0x4038;
	[tilespmem:$0x2800] =	vst v63  }
0x60: {  	v2 =	vor.u32 $0x100, v0;
	(ifvalue) =	ssetifvalue $0x7FFFFFFF  }
0x61: {  	s21 =	sadd.s32 $0x80, s20;
	(ifvalue) =	ssetifvalue $0x7FFFFFFF  }
0x62: {  	[tilespmem:s21], [sflag:$0x1] =	stream.indirect_vreg.gather [hbm4b:s3+s10], $0x1, v1, vm0, $0x4038;
	[tilespmem:$0x2800] =	vst v63  }
.Ltmp3:
0x63: {  	v0 =	vor.u32 $0x180, v0;
	(ifvalue) =	ssetifvalue $0x7FFFFFFF;
	(pc) =	sbr.rel @p1 .LBB2_3-.Ltmp3, $4  }
0x64: {  	s21 =	sadd.s32 $0x100, s20;
	(ifvalue) =	ssetifvalue $0x7FFFFFFF  }
0x65: {  	[tilespmem:s21], [sflag:$0x1] =	stream.indirect_vreg.gather [hbm4b:s3+s10], $0x1, v2, vm0, $0x4038;
	[tilespmem:$0x2800] =	vst v63  }
0x66: {  	(ifvalue) =	ssetifvalue $0x7FFFFFFF  }
0x67: {  	s19 =	sadd.s32 $0x40, s19;
	s20 =	sadd.s32 $0x180, s20;
	(ifvalue) =	ssetifvalue $0x7FFFFFFF  }
.Ltmp4:
0x68: {  	_ = 	snop;
	(pc) =	sbr.rel .LBB2_4-.Ltmp4, $1  }
0x69: {  	_ =	sdelay $0x3  }
.LBB2_6:
0x6a: {  	_ =	sfence.sel $0x180000  }
0x6b: {  	s2 =	simm.s32 $0x2;
	[bflag:$0x0] =	sbarrier.arrive $0xFFFF  }
0x6c: {  	s30 =	simm.s32 $0x3;
	[sflag:s2] =	ssyncpa.u1 $0x1  }
0x6d: {  	s31 =	simm.s32 $0x1;
	[sflag:s30] =	ssyncpa.u1 $0x1  }
0x6e: {  	[sflag:s31] =	ssyncpa.u1 $0x1  }
0x6f: {  	p0 =	sne.s32 s0, $0x0;
	_ =	strace $0x90000047  }
0x70: {  	s0 =	sadd.s32 @!p0 $0x100000, s1;
	[bflag:$0x2] =	sbarrier.arrive $0xFFFF  }
0x71: {  	[sflag:s0] =	ssyncadd.tile.s32 @!p0 $0x1;
	_ =	shalt  }
.Lfunc_end2:
_tile_overlayer_lowered:
.L_overlay_start_2:
0x72: {  	(tag) =	ssettag $0x2  }
0x73: {  	s0 =	rddreg [dreg:$0x0];
	s2 =	stileid.u32  }
0x74: {  	s1 =	rddreg [dreg:$0x1];
	p0 =	sne.s32 s2, $0x0  }
0x75: {  	s3 =	rddreg [dreg:$0x2];
	[bflag:$0x3] =	sbarrier.arrive $0xFFFF;
	s2 =	simm.s32 @!p0 $0x1C01  }
0x76: {  	[timem:s3], [sflag:s2] =	dma.local @!p0 [hbm:s0], s1  }
0x77: {  	s0 =	simm.s32 @!p0 $0x1  }
0x78: {  	_ =	swait.ge @!p0 [sflag:s0], s1  }
0x79: {  	s1 =	ssub.s32 @!p0 $0x0, s1;
	[sflag:s0] =	ssyncset.done @!p0 $0x0  }
0x7a: {  	[sflag:s0] =	ssyncadd.s32 @!p0 s1  }
0x7b: {  	[bflag:$0x3] =	sbarrier.arrive $0xFFFF  }
0x7c: {  	_ =	shalt  }

</sc_bundles>
